<compile_context>
chip_gen: v7x
topology: tpu7x:2x2x1
jax: 0.10.2.dev20260603
libtpu: 0.0.44.dev20260713+nightly
codegen_flags: <defaults>
</compile_context>

<pallas_src>
import functools

import jax
import jax.numpy as jnp
from jax import lax
from jax.experimental import pallas as pl
from jax.experimental.pallas import tpu as pltpu
from jax.experimental.pallas import tpu_sc as plsc

NC = 2
NS = 16
NW = NC * NS
LANES = 16
CHUNK = 128

BATCH = 16384
ACTION_DIM = 64
PAD_ROWS = 128
SLC_WORDS = PAD_ROWS * ACTION_DIM // NS
B_PER_W = BATCH // NW
N_CHUNKS = B_PER_W // CHUNK


@functools.partial(
    pl.kernel,
    out_type=jax.ShapeDtypeStruct((NW, N_CHUNKS, CHUNK, ACTION_DIM), jnp.float32),
    mesh=plsc.VectorSubcoreMesh(core_axis_name="c", subcore_axis_name="s"),
    compiler_params=pltpu.CompilerParams(use_tc_tiling_on_sc=True),
    scratch_types=[
        pltpu.VMEM((N_CHUNKS, CHUNK), jnp.int32),
        pltpu.VMEM((PAD_ROWS // NS, ACTION_DIM), jnp.float32),
        pltpu.VMEM((N_CHUNKS, CHUNK, ACTION_DIM), jnp.float32),
        pltpu.VMEM_SHARED((PAD_ROWS, ACTION_DIM), jnp.float32),
        pltpu.SemaphoreType.DMA,
    ],
)
def _gather_exp(table_hbm, idx_hbm, out_hbm, idx_v, slc_v, rows_v, tbl_sh, sem):
    sid = lax.axis_index("s")
    wid = sid * NC + lax.axis_index("c")
    base = wid * B_PER_W

    rows_per_tile = PAD_ROWS // NS
    pltpu.sync_copy(table_hbm.at[pl.ds(sid * rows_per_tile, rows_per_tile)], slc_v)

    def exp_row(r, carry):
        for j in range(ACTION_DIM // LANES):
            v = slc_v[r, pl.ds(j * LANES, LANES)]
            slc_v[r, pl.ds(j * LANES, LANES)] = jnp.exp(v) + 1e-8
        return carry

    lax.fori_loop(0, rows_per_tile, exp_row, 0)
    pltpu.sync_copy(slc_v, tbl_sh.at[pl.ds(sid * rows_per_tile, rows_per_tile)])
    pltpu.sync_copy(idx_hbm.at[wid], idx_v)
    plsc.subcore_barrier()

    gathers = [
        pltpu.async_copy(
            tbl_sh.at[idx_v.at[j]],
            rows_v.at[j],
            sem,
        )
        for j in range(N_CHUNKS)
    ]
    for g in gathers:
        g.wait()
    pltpu.sync_copy(rows_v, out_hbm.at[wid])


def kernel(states, worker_ids, worker_cov):
    del states
    table = jnp.pad(worker_cov.T, ((0, PAD_ROWS - worker_cov.shape[1]), (0, 0)))
    idx = worker_ids.astype(jnp.int32).reshape(NW, N_CHUNKS, CHUNK)
    out_cov = _gather_exp(table, idx).reshape(BATCH, ACTION_DIM)
    mu = jnp.zeros((BATCH, ACTION_DIM), dtype=jnp.float32)
    return (out_cov, mu)

# --- scband reference (transcript-rebuilt; emitter-appended) ---
"""Pipeline reference for scband-worker-noise-66864050864342 (READ-ONLY COPY).

The authoritative reference and input builder live on the scoring server;
editing this copy changes nothing except your own understanding.
"""

import jax, jax.numpy as jnp
import numpy as np

BATCH = 16384
STATE_DIM = 256
ACTION_DIM = 64
WORKER_NUM = 100


def setup_inputs(seed: int = 0) -> dict:
    key = jax.random.key(seed)
    k1, k2 = jax.random.split(key)
    states = jax.random.normal(k1, (BATCH, STATE_DIM), dtype=jnp.float32)
    worker_ids = jax.random.randint(k2, (BATCH,), 0, WORKER_NUM, dtype=jnp.int64 if jax.config.jax_enable_x64 else jnp.int32)
    # learned parameter: worker_cov initialized to ones * -1, shape [action_dim, worker_num]
    worker_cov = jnp.ones((ACTION_DIM, WORKER_NUM), dtype=jnp.float32) * -1.0
    return {"states": states, "worker_ids": worker_ids, "worker_cov": worker_cov}


def reference(states, worker_ids, worker_cov):
    # Faithful math of the torch forward (worker_model == 1):
    # expand worker_ids over [B, action_dim, worker_num], gather along dim 2, take [:, :, 0]
    # is mathematically identical to selecting column worker_ids[b] of worker_cov for each b:
    # cov[b, a] = worker_cov[a, worker_ids[b]]
    cov = jnp.take(worker_cov, worker_ids, axis=1).T  # [B, action_dim]
    out_cov = jnp.exp(cov) + 1e-08
    mu = jnp.zeros((states.shape[0], ACTION_DIM), dtype=jnp.float32)  # worker_mu_zero repeated
    return (out_cov, mu)

if __name__ == "__main__":
    import jax
    _d = setup_inputs()
    print(jax.jit(kernel)(*tuple(_d.values())))

</pallas_src>

<mosaic_0001>
#map = affine_map<(d0, d1) -> (0, 0)>
#map1 = affine_map<(d0, d1) -> (0, 0, 0)>
#map2 = affine_map<(d0, d1) -> (0, 0, 0, 0)>
module attributes {stable_mosaic.version = 14 : i64} {
  func.func @_gather_exp(%arg0: i32, %arg1: i32, %arg2: memref<128x64xf32, #tpu.memory_space<hbm>>, %arg3: memref<32x4x128xi32, #tpu.memory_space<hbm>>, %arg4: memref<32x4x128x64xf32, #tpu.memory_space<hbm>>, %arg5: memref<4x128xi32, #tpu.memory_space<vmem>>, %arg6: memref<8x64xf32, #tpu.memory_space<vmem>>, %arg7: memref<4x128x64xf32, #tpu.memory_space<vmem>>, %arg8: memref<128x64xf32, #tpu.memory_space<vmem_shared>>, %arg9: memref<!tpu.dma_semaphore, #tpu.memory_space<semaphore_mem>>) attributes {dimension_semantics = [#tpu.dimension_semantics<core_parallel>, #tpu.dimension_semantics<subcore_parallel>], iteration_bounds = array<i64: 2, 16>, scalar_prefetch = 0 : i64, scratch_operands = 5 : i64, tpu.core_type = #tpu.core_type<sc_vector_subcore>, window_params = [{transform_indices = #map}, {transform_indices = #map1}, {transform_indices = #map2}]} {
    %mul3A = arith.constant 2 : i32
    %mul3A_0 = arith.muli %arg1, %mul3A : i32
    %add3A = arith.addi %mul3A_0, %arg0 : i32
    %mul3A_1 = arith.constant 512 : i32
    %mul3A_2 = arith.muli %add3A, %mul3A_1 : i32
    %mul3A_3 = arith.constant 8 : i32
    %mul3A_4 = arith.muli %arg1, %mul3A_3 : i32
    "tpu.region"() ({
      %run_scoped3A = tpu.sem_alloc : memref<!tpu.dma_semaphore, #tpu.memory_space<semaphore_mem>>
      %dma_start3A_106 = arith.constant 0 : i32
      %dma_start3A_107 = tpu.memref_slice %arg2[%mul3A_4, %dma_start3A_106] : memref<128x64xf32, #tpu.memory_space<hbm>> -> memref<8x64xf32, #tpu.memory_space<hbm>>
      %dma_start3A_108 = arith.constant 0 : i32
      %dma_start3A_109 = tpu.memref_slice %arg2[%mul3A_4, %dma_start3A_108] : memref<128x64xf32, #tpu.memory_space<hbm>> -> memref<8x64xf32, #tpu.memory_space<hbm>>
      tpu.enqueue_dma source(%dma_start3A_109 : memref<8x64xf32, #tpu.memory_space<hbm>>) target(%arg6 : memref<8x64xf32, #tpu.memory_space<vmem>>) target_semaphore(%run_scoped3A : memref<!tpu.dma_semaphore, #tpu.memory_space<semaphore_mem>>)
      %dma_wait3A_110 = arith.constant 0 : i32
      %dma_wait3A_111 = tpu.memref_slice %arg2[%mul3A_4, %dma_wait3A_110] : memref<128x64xf32, #tpu.memory_space<hbm>> -> memref<8x64xf32, #tpu.memory_space<hbm>>
      %dma_wait3A_112 = arith.constant 0 : i32
      %dma_wait3A_113 = tpu.memref_slice %arg2[%mul3A_4, %dma_wait3A_112] : memref<128x64xf32, #tpu.memory_space<hbm>> -> memref<8x64xf32, #tpu.memory_space<hbm>>
      tpu.wait_dma2 semaphore(%run_scoped3A : memref<!tpu.dma_semaphore, #tpu.memory_space<semaphore_mem>>) src(%dma_wait3A_113 : memref<8x64xf32, #tpu.memory_space<hbm>>) dst(%arg6 : memref<8x64xf32, #tpu.memory_space<vmem>>)
      tpu.yield
    }) : () -> ()
    %scan3A = arith.constant 0 : i32
    %scan3A_5 = arith.constant 0 : i32
    %scan3A_6 = arith.constant 8 : i32
    %scan3A_7 = arith.addi %scan3A_5, %scan3A_6 : i32
    %scan3A_8 = arith.constant 1 : i32
    scf.for %scan3A_106 = %scan3A_5 to %scan3A_7 step %scan3A_8  : i32 {
      %get3A = arith.index_cast %scan3A_106 : i32 to index
      %get3A_107 = arith.constant 0 : index
      %get3A_108 = tpu.vector_load %arg6[%get3A, %get3A_107] {strides = array<i32>} : memref<8x64xf32, #tpu.memory_space<vmem>>, vector<1x16xf32>,
      %get3A_109 = vector.shape_cast %get3A_108 : vector<1x16xf32> to vector<16xf32>
      %exp3A = math.exp %get3A_109 : vector<16xf32>
      %add3A_110 = arith.constant 9.99999993E-9 : f32
      %add3A_111 = vector.broadcast %add3A_110 : f32 to vector<16xf32>
      %add3A_112 = arith.addf %exp3A, %add3A_111 : vector<16xf32>
      %swap3A = arith.index_cast %scan3A_106 : i32 to index
      %swap3A_113 = arith.constant 0 : index
      %swap3A_114 = tpu.vector_load %arg6[%swap3A, %swap3A_113] {strides = array<i32>} : memref<8x64xf32, #tpu.memory_space<vmem>>, vector<1x16xf32>,
      %swap3A_115 = vector.shape_cast %swap3A_114 : vector<1x16xf32> to vector<16xf32>
      %swap3A_116 = vector.shape_cast %add3A_112 : vector<16xf32> to vector<1x16xf32>
      tpu.vector_store %arg6[%swap3A, %swap3A_113], %swap3A_116 {strides = array<i32>} : memref<8x64xf32, #tpu.memory_space<vmem>>, vector<1x16xf32>,
      %get3A_117 = arith.index_cast %scan3A_106 : i32 to index
      %get3A_118 = arith.constant 16 : index
      %get3A_119 = tpu.vector_load %arg6[%get3A_117, %get3A_118] {strides = array<i32>} : memref<8x64xf32, #tpu.memory_space<vmem>>, vector<1x16xf32>,
      %get3A_120 = vector.shape_cast %get3A_119 : vector<1x16xf32> to vector<16xf32>
      %exp3A_121 = math.exp %get3A_120 : vector<16xf32>
      %add3A_122 = arith.constant 9.99999993E-9 : f32
      %add3A_123 = vector.broadcast %add3A_122 : f32 to vector<16xf32>
      %add3A_124 = arith.addf %exp3A_121, %add3A_123 : vector<16xf32>
      %swap3A_125 = arith.index_cast %scan3A_106 : i32 to index
      %swap3A_126 = arith.constant 16 : index
      %swap3A_127 = tpu.vector_load %arg6[%swap3A_125, %swap3A_126] {strides = array<i32>} : memref<8x64xf32, #tpu.memory_space<vmem>>, vector<1x16xf32>,
      %swap3A_128 = vector.shape_cast %swap3A_127 : vector<1x16xf32> to vector<16xf32>
      %swap3A_129 = vector.shape_cast %add3A_124 : vector<16xf32> to vector<1x16xf32>
      tpu.vector_store %arg6[%swap3A_125, %swap3A_126], %swap3A_129 {strides = array<i32>} : memref<8x64xf32, #tpu.memory_space<vmem>>, vector<1x16xf32>,
      %get3A_130 = arith.index_cast %scan3A_106 : i32 to index
      %get3A_131 = arith.constant 32 : index
      %get3A_132 = tpu.vector_load %arg6[%get3A_130, %get3A_131] {strides = array<i32>} : memref<8x64xf32, #tpu.memory_space<vmem>>, vector<1x16xf32>,
      %get3A_133 = vector.shape_cast %get3A_132 : vector<1x16xf32> to vector<16xf32>
      %exp3A_134 = math.exp %get3A_133 : vector<16xf32>
      %add3A_135 = arith.constant 9.99999993E-9 : f32
      %add3A_136 = vector.broadcast %add3A_135 : f32 to vector<16xf32>
      %add3A_137 = arith.addf %exp3A_134, %add3A_136 : vector<16xf32>
      %swap3A_138 = arith.index_cast %scan3A_106 : i32 to index
      %swap3A_139 = arith.constant 32 : index
      %swap3A_140 = tpu.vector_load %arg6[%swap3A_138, %swap3A_139] {strides = array<i32>} : memref<8x64xf32, #tpu.memory_space<vmem>>, vector<1x16xf32>,
      %swap3A_141 = vector.shape_cast %swap3A_140 : vector<1x16xf32> to vector<16xf32>
      %swap3A_142 = vector.shape_cast %add3A_137 : vector<16xf32> to vector<1x16xf32>
      tpu.vector_store %arg6[%swap3A_138, %swap3A_139], %swap3A_142 {strides = array<i32>} : memref<8x64xf32, #tpu.memory_space<vmem>>, vector<1x16xf32>,
      %get3A_143 = arith.index_cast %scan3A_106 : i32 to index
      %get3A_144 = arith.constant 48 : index
      %get3A_145 = tpu.vector_load %arg6[%get3A_143, %get3A_144] {strides = array<i32>} : memref<8x64xf32, #tpu.memory_space<vmem>>, vector<1x16xf32>,
      %get3A_146 = vector.shape_cast %get3A_145 : vector<1x16xf32> to vector<16xf32>
      %exp3A_147 = math.exp %get3A_146 : vector<16xf32>
      %add3A_148 = arith.constant 9.99999993E-9 : f32
      %add3A_149 = vector.broadcast %add3A_148 : f32 to vector<16xf32>
      %add3A_150 = arith.addf %exp3A_147, %add3A_149 : vector<16xf32>
      %swap3A_151 = arith.index_cast %scan3A_106 : i32 to index
      %swap3A_152 = arith.constant 48 : index
      %swap3A_153 = tpu.vector_load %arg6[%swap3A_151, %swap3A_152] {strides = array<i32>} : memref<8x64xf32, #tpu.memory_space<vmem>>, vector<1x16xf32>,
      %swap3A_154 = vector.shape_cast %swap3A_153 : vector<1x16xf32> to vector<16xf32>
      %swap3A_155 = vector.shape_cast %add3A_150 : vector<16xf32> to vector<1x16xf32>
      tpu.vector_store %arg6[%swap3A_151, %swap3A_152], %swap3A_155 {strides = array<i32>} : memref<8x64xf32, #tpu.memory_space<vmem>>, vector<1x16xf32>,
    }
    %scan3A_9 = arith.constant 8 : i32
    %mul3A_10 = arith.constant 8 : i32
    %mul3A_11 = arith.muli %arg1, %mul3A_10 : i32
    "tpu.region"() ({
      %run_scoped3A = tpu.sem_alloc : memref<!tpu.dma_semaphore, #tpu.memory_space<semaphore_mem>>
      %dma_start3A_106 = arith.constant 0 : i32
      %dma_start3A_107 = tpu.memref_slice %arg8[%mul3A_11, %dma_start3A_106] : memref<128x64xf32, #tpu.memory_space<vmem_shared>> -> memref<8x64xf32, #tpu.memory_space<vmem_shared>>
      %dma_start3A_108 = arith.constant 0 : i32
      %dma_start3A_109 = tpu.memref_slice %arg8[%mul3A_11, %dma_start3A_108] : memref<128x64xf32, #tpu.memory_space<vmem_shared>> -> memref<8x64xf32, #tpu.memory_space<vmem_shared>>
      tpu.enqueue_dma source(%arg6 : memref<8x64xf32, #tpu.memory_space<vmem>>) target(%dma_start3A_109 : memref<8x64xf32, #tpu.memory_space<vmem_shared>>) target_semaphore(%run_scoped3A : memref<!tpu.dma_semaphore, #tpu.memory_space<semaphore_mem>>)
      %dma_wait3A_110 = arith.constant 0 : i32
      %dma_wait3A_111 = tpu.memref_slice %arg8[%mul3A_11, %dma_wait3A_110] : memref<128x64xf32, #tpu.memory_space<vmem_shared>> -> memref<8x64xf32, #tpu.memory_space<vmem_shared>>
      %dma_wait3A_112 = arith.constant 0 : i32
      %dma_wait3A_113 = tpu.memref_slice %arg8[%mul3A_11, %dma_wait3A_112] : memref<128x64xf32, #tpu.memory_space<vmem_shared>> -> memref<8x64xf32, #tpu.memory_space<vmem_shared>>
      tpu.wait_dma2 semaphore(%run_scoped3A : memref<!tpu.dma_semaphore, #tpu.memory_space<semaphore_mem>>) src(%arg6 : memref<8x64xf32, #tpu.memory_space<vmem>>) dst(%dma_wait3A_113 : memref<8x64xf32, #tpu.memory_space<vmem_shared>>)
      tpu.yield
    }) : () -> ()
    "tpu.region"() ({
      %run_scoped3A = tpu.sem_alloc : memref<!tpu.dma_semaphore, #tpu.memory_space<semaphore_mem>>
      %dma_start3A_106 = arith.constant 0 : i32
      %dma_start3A_107 = arith.constant 0 : i32
      %dma_start3A_108 = tpu.memref_slice %arg3[%add3A, %dma_start3A_106, %dma_start3A_107] : memref<32x4x128xi32, #tpu.memory_space<hbm>> -> memref<1x4x128xi32, #tpu.memory_space<hbm>>
      %dma_start3A_109 = tpu.memref_squeeze %dma_start3A_108 : memref<1x4x128xi32, #tpu.memory_space<hbm>> -> memref<4x128xi32, #tpu.memory_space<hbm>>
      %dma_start3A_110 = arith.constant 0 : i32
      %dma_start3A_111 = arith.constant 0 : i32
      %dma_start3A_112 = tpu.memref_slice %arg3[%add3A, %dma_start3A_110, %dma_start3A_111] : memref<32x4x128xi32, #tpu.memory_space<hbm>> -> memref<1x4x128xi32, #tpu.memory_space<hbm>>
      %dma_start3A_113 = tpu.memref_squeeze %dma_start3A_112 : memref<1x4x128xi32, #tpu.memory_space<hbm>> -> memref<4x128xi32, #tpu.memory_space<hbm>>
      tpu.enqueue_dma source(%dma_start3A_113 : memref<4x128xi32, #tpu.memory_space<hbm>>) target(%arg5 : memref<4x128xi32, #tpu.memory_space<vmem>>) target_semaphore(%run_scoped3A : memref<!tpu.dma_semaphore, #tpu.memory_space<semaphore_mem>>)
      %dma_wait3A_114 = arith.constant 0 : i32
      %dma_wait3A_115 = arith.constant 0 : i32
      %dma_wait3A_116 = tpu.memref_slice %arg3[%add3A, %dma_wait3A_114, %dma_wait3A_115] : memref<32x4x128xi32, #tpu.memory_space<hbm>> -> memref<1x4x128xi32, #tpu.memory_space<hbm>>
      %dma_wait3A_117 = tpu.memref_squeeze %dma_wait3A_116 : memref<1x4x128xi32, #tpu.memory_space<hbm>> -> memref<4x128xi32, #tpu.memory_space<hbm>>
      %dma_wait3A_118 = arith.constant 0 : i32
      %dma_wait3A_119 = arith.constant 0 : i32
      %dma_wait3A_120 = tpu.memref_slice %arg3[%add3A, %dma_wait3A_118, %dma_wait3A_119] : memref<32x4x128xi32, #tpu.memory_space<hbm>> -> memref<1x4x128xi32, #tpu.memory_space<hbm>>
      %dma_wait3A_121 = tpu.memref_squeeze %dma_wait3A_120 : memref<1x4x128xi32, #tpu.memory_space<hbm>> -> memref<4x128xi32, #tpu.memory_space<hbm>>
      tpu.wait_dma2 semaphore(%run_scoped3A : memref<!tpu.dma_semaphore, #tpu.memory_space<semaphore_mem>>) src(%dma_wait3A_121 : memref<4x128xi32, #tpu.memory_space<hbm>>) dst(%arg5 : memref<4x128xi32, #tpu.memory_space<vmem>>)
      tpu.yield
    }) : () -> ()
    %barrier3A = arith.constant 0 : index
    tpu.barrier barrier_id(%barrier3A)
    %dma_start3A = arith.constant 0 : i32
    %dma_start3A_12 = arith.constant 0 : i32
    %dma_start3A_13 = arith.constant 0 : i32
    %dma_start3A_14 = arith.constant 0 : i32
    %dma_start3A_15 = tpu.memref_slice %arg7[%dma_start3A_12, %dma_start3A_13, %dma_start3A_14] : memref<4x128x64xf32, #tpu.memory_space<vmem>> -> memref<1x128x64xf32, #tpu.memory_space<vmem>>
    %dma_start3A_16 = tpu.memref_squeeze %dma_start3A_15 : memref<1x128x64xf32, #tpu.memory_space<vmem>> -> memref<128x64xf32, #tpu.memory_space<vmem>>
    %dma_start3A_17 = arith.constant 0 : i32
    %dma_start3A_18 = tpu.memref_slice %arg5[%dma_start3A, %dma_start3A_17] : memref<4x128xi32, #tpu.memory_space<vmem>> -> memref<1x128xi32, #tpu.memory_space<vmem>>
    %dma_start3A_19 = tpu.memref_squeeze %dma_start3A_18 : memref<1x128xi32, #tpu.memory_space<vmem>> -> memref<128xi32, #tpu.memory_space<vmem>>
    %dma_start3A_20 = arith.constant 0 : i32
    %dma_start3A_21 = arith.constant 0 : i32
    %dma_start3A_22 = tpu.memref_slice %arg8[%dma_start3A_20, %dma_start3A_21] : memref<128x64xf32, #tpu.memory_space<vmem_shared>> -> memref<128x64xf32, #tpu.memory_space<vmem_shared>>
    tpu.enqueue_indirect_dma source(%dma_start3A_22 : memref<128x64xf32, #tpu.memory_space<vmem_shared>>) target(%dma_start3A_16 : memref<128x64xf32, #tpu.memory_space<vmem>>) offsets(%dma_start3A_19 : memref<128xi32, #tpu.memory_space<vmem>>) semaphore(%arg9 : memref<!tpu.dma_semaphore, #tpu.memory_space<semaphore_mem>>)
    %dma_start3A_23 = arith.constant 1 : i32
    %dma_start3A_24 = arith.constant 1 : i32
    %dma_start3A_25 = arith.constant 0 : i32
    %dma_start3A_26 = arith.constant 0 : i32
    %dma_start3A_27 = tpu.memref_slice %arg7[%dma_start3A_24, %dma_start3A_25, %dma_start3A_26] : memref<4x128x64xf32, #tpu.memory_space<vmem>> -> memref<1x128x64xf32, #tpu.memory_space<vmem>>
    %dma_start3A_28 = tpu.memref_squeeze %dma_start3A_27 : memref<1x128x64xf32, #tpu.memory_space<vmem>> -> memref<128x64xf32, #tpu.memory_space<vmem>>
    %dma_start3A_29 = arith.constant 0 : i32
    %dma_start3A_30 = tpu.memref_slice %arg5[%dma_start3A_23, %dma_start3A_29] : memref<4x128xi32, #tpu.memory_space<vmem>> -> memref<1x128xi32, #tpu.memory_space<vmem>>
    %dma_start3A_31 = tpu.memref_squeeze %dma_start3A_30 : memref<1x128xi32, #tpu.memory_space<vmem>> -> memref<128xi32, #tpu.memory_space<vmem>>
    %dma_start3A_32 = arith.constant 0 : i32
    %dma_start3A_33 = arith.constant 0 : i32
    %dma_start3A_34 = tpu.memref_slice %arg8[%dma_start3A_32, %dma_start3A_33] : memref<128x64xf32, #tpu.memory_space<vmem_shared>> -> memref<128x64xf32, #tpu.memory_space<vmem_shared>>
    tpu.enqueue_indirect_dma source(%dma_start3A_34 : memref<128x64xf32, #tpu.memory_space<vmem_shared>>) target(%dma_start3A_28 : memref<128x64xf32, #tpu.memory_space<vmem>>) offsets(%dma_start3A_31 : memref<128xi32, #tpu.memory_space<vmem>>) semaphore(%arg9 : memref<!tpu.dma_semaphore, #tpu.memory_space<semaphore_mem>>)
    %dma_start3A_35 = arith.constant 2 : i32
    %dma_start3A_36 = arith.constant 2 : i32
    %dma_start3A_37 = arith.constant 0 : i32
    %dma_start3A_38 = arith.constant 0 : i32
    %dma_start3A_39 = tpu.memref_slice %arg7[%dma_start3A_36, %dma_start3A_37, %dma_start3A_38] : memref<4x128x64xf32, #tpu.memory_space<vmem>> -> memref<1x128x64xf32, #tpu.memory_space<vmem>>
    %dma_start3A_40 = tpu.memref_squeeze %dma_start3A_39 : memref<1x128x64xf32, #tpu.memory_space<vmem>> -> memref<128x64xf32, #tpu.memory_space<vmem>>
    %dma_start3A_41 = arith.constant 0 : i32
    %dma_start3A_42 = tpu.memref_slice %arg5[%dma_start3A_35, %dma_start3A_41] : memref<4x128xi32, #tpu.memory_space<vmem>> -> memref<1x128xi32, #tpu.memory_space<vmem>>
    %dma_start3A_43 = tpu.memref_squeeze %dma_start3A_42 : memref<1x128xi32, #tpu.memory_space<vmem>> -> memref<128xi32, #tpu.memory_space<vmem>>
    %dma_start3A_44 = arith.constant 0 : i32
    %dma_start3A_45 = arith.constant 0 : i32
    %dma_start3A_46 = tpu.memref_slice %arg8[%dma_start3A_44, %dma_start3A_45] : memref<128x64xf32, #tpu.memory_space<vmem_shared>> -> memref<128x64xf32, #tpu.memory_space<vmem_shared>>
    tpu.enqueue_indirect_dma source(%dma_start3A_46 : memref<128x64xf32, #tpu.memory_space<vmem_shared>>) target(%dma_start3A_40 : memref<128x64xf32, #tpu.memory_space<vmem>>) offsets(%dma_start3A_43 : memref<128xi32, #tpu.memory_space<vmem>>) semaphore(%arg9 : memref<!tpu.dma_semaphore, #tpu.memory_space<semaphore_mem>>)
    %dma_start3A_47 = arith.constant 3 : i32
    %dma_start3A_48 = arith.constant 3 : i32
    %dma_start3A_49 = arith.constant 0 : i32
    %dma_start3A_50 = arith.constant 0 : i32
    %dma_start3A_51 = tpu.memref_slice %arg7[%dma_start3A_48, %dma_start3A_49, %dma_start3A_50] : memref<4x128x64xf32, #tpu.memory_space<vmem>> -> memref<1x128x64xf32, #tpu.memory_space<vmem>>
    %dma_start3A_52 = tpu.memref_squeeze %dma_start3A_51 : memref<1x128x64xf32, #tpu.memory_space<vmem>> -> memref<128x64xf32, #tpu.memory_space<vmem>>
    %dma_start3A_53 = arith.constant 0 : i32
    %dma_start3A_54 = tpu.memref_slice %arg5[%dma_start3A_47, %dma_start3A_53] : memref<4x128xi32, #tpu.memory_space<vmem>> -> memref<1x128xi32, #tpu.memory_space<vmem>>
    %dma_start3A_55 = tpu.memref_squeeze %dma_start3A_54 : memref<1x128xi32, #tpu.memory_space<vmem>> -> memref<128xi32, #tpu.memory_space<vmem>>
    %dma_start3A_56 = arith.constant 0 : i32
    %dma_start3A_57 = arith.constant 0 : i32
    %dma_start3A_58 = tpu.memref_slice %arg8[%dma_start3A_56, %dma_start3A_57] : memref<128x64xf32, #tpu.memory_space<vmem_shared>> -> memref<128x64xf32, #tpu.memory_space<vmem_shared>>
    tpu.enqueue_indirect_dma source(%dma_start3A_58 : memref<128x64xf32, #tpu.memory_space<vmem_shared>>) target(%dma_start3A_52 : memref<128x64xf32, #tpu.memory_space<vmem>>) offsets(%dma_start3A_55 : memref<128xi32, #tpu.memory_space<vmem>>) semaphore(%arg9 : memref<!tpu.dma_semaphore, #tpu.memory_space<semaphore_mem>>)
    %dma_wait3A = arith.constant 0 : i32
    %dma_wait3A_59 = arith.constant 0 : i32
    %dma_wait3A_60 = arith.constant 0 : i32
    %dma_wait3A_61 = arith.constant 0 : i32
    %dma_wait3A_62 = tpu.memref_slice %arg7[%dma_wait3A_59, %dma_wait3A_60, %dma_wait3A_61] : memref<4x128x64xf32, #tpu.memory_space<vmem>> -> memref<1x128x64xf32, #tpu.memory_space<vmem>>
    %dma_wait3A_63 = tpu.memref_squeeze %dma_wait3A_62 : memref<1x128x64xf32, #tpu.memory_space<vmem>> -> memref<128x64xf32, #tpu.memory_space<vmem>>
    %dma_wait3A_64 = arith.constant 0 : i32
    %dma_wait3A_65 = tpu.memref_slice %arg5[%dma_wait3A, %dma_wait3A_64] : memref<4x128xi32, #tpu.memory_space<vmem>> -> memref<1x128xi32, #tpu.memory_space<vmem>>
    %dma_wait3A_66 = tpu.memref_squeeze %dma_wait3A_65 : memref<1x128xi32, #tpu.memory_space<vmem>> -> memref<128xi32, #tpu.memory_space<vmem>>
    %dma_wait3A_67 = arith.constant 0 : i32
    %dma_wait3A_68 = arith.constant 0 : i32
    %dma_wait3A_69 = tpu.memref_slice %arg8[%dma_wait3A_67, %dma_wait3A_68] : memref<128x64xf32, #tpu.memory_space<vmem_shared>> -> memref<128x64xf32, #tpu.memory_space<vmem_shared>>
    tpu.wait_indirect_dma semaphore(%arg9 : memref<!tpu.dma_semaphore, #tpu.memory_space<semaphore_mem>>) src(%dma_wait3A_69 : memref<128x64xf32, #tpu.memory_space<vmem_shared>>) dst(%dma_wait3A_63 : memref<128x64xf32, #tpu.memory_space<vmem>>)
    %dma_wait3A_70 = arith.constant 1 : i32
    %dma_wait3A_71 = arith.constant 1 : i32
    %dma_wait3A_72 = arith.constant 0 : i32
    %dma_wait3A_73 = arith.constant 0 : i32
    %dma_wait3A_74 = tpu.memref_slice %arg7[%dma_wait3A_71, %dma_wait3A_72, %dma_wait3A_73] : memref<4x128x64xf32, #tpu.memory_space<vmem>> -> memref<1x128x64xf32, #tpu.memory_space<vmem>>
    %dma_wait3A_75 = tpu.memref_squeeze %dma_wait3A_74 : memref<1x128x64xf32, #tpu.memory_space<vmem>> -> memref<128x64xf32, #tpu.memory_space<vmem>>
    %dma_wait3A_76 = arith.constant 0 : i32
    %dma_wait3A_77 = tpu.memref_slice %arg5[%dma_wait3A_70, %dma_wait3A_76] : memref<4x128xi32, #tpu.memory_space<vmem>> -> memref<1x128xi32, #tpu.memory_space<vmem>>
    %dma_wait3A_78 = tpu.memref_squeeze %dma_wait3A_77 : memref<1x128xi32, #tpu.memory_space<vmem>> -> memref<128xi32, #tpu.memory_space<vmem>>
    %dma_wait3A_79 = arith.constant 0 : i32
    %dma_wait3A_80 = arith.constant 0 : i32
    %dma_wait3A_81 = tpu.memref_slice %arg8[%dma_wait3A_79, %dma_wait3A_80] : memref<128x64xf32, #tpu.memory_space<vmem_shared>> -> memref<128x64xf32, #tpu.memory_space<vmem_shared>>
    tpu.wait_indirect_dma semaphore(%arg9 : memref<!tpu.dma_semaphore, #tpu.memory_space<semaphore_mem>>) src(%dma_wait3A_81 : memref<128x64xf32, #tpu.memory_space<vmem_shared>>) dst(%dma_wait3A_75 : memref<128x64xf32, #tpu.memory_space<vmem>>)
    %dma_wait3A_82 = arith.constant 2 : i32
    %dma_wait3A_83 = arith.constant 2 : i32
    %dma_wait3A_84 = arith.constant 0 : i32
    %dma_wait3A_85 = arith.constant 0 : i32
    %dma_wait3A_86 = tpu.memref_slice %arg7[%dma_wait3A_83, %dma_wait3A_84, %dma_wait3A_85] : memref<4x128x64xf32, #tpu.memory_space<vmem>> -> memref<1x128x64xf32, #tpu.memory_space<vmem>>
    %dma_wait3A_87 = tpu.memref_squeeze %dma_wait3A_86 : memref<1x128x64xf32, #tpu.memory_space<vmem>> -> memref<128x64xf32, #tpu.memory_space<vmem>>
    %dma_wait3A_88 = arith.constant 0 : i32
    %dma_wait3A_89 = tpu.memref_slice %arg5[%dma_wait3A_82, %dma_wait3A_88] : memref<4x128xi32, #tpu.memory_space<vmem>> -> memref<1x128xi32, #tpu.memory_space<vmem>>
    %dma_wait3A_90 = tpu.memref_squeeze %dma_wait3A_89 : memref<1x128xi32, #tpu.memory_space<vmem>> -> memref<128xi32, #tpu.memory_space<vmem>>
    %dma_wait3A_91 = arith.constant 0 : i32
    %dma_wait3A_92 = arith.constant 0 : i32
    %dma_wait3A_93 = tpu.memref_slice %arg8[%dma_wait3A_91, %dma_wait3A_92] : memref<128x64xf32, #tpu.memory_space<vmem_shared>> -> memref<128x64xf32, #tpu.memory_space<vmem_shared>>
    tpu.wait_indirect_dma semaphore(%arg9 : memref<!tpu.dma_semaphore, #tpu.memory_space<semaphore_mem>>) src(%dma_wait3A_93 : memref<128x64xf32, #tpu.memory_space<vmem_shared>>) dst(%dma_wait3A_87 : memref<128x64xf32, #tpu.memory_space<vmem>>)
    %dma_wait3A_94 = arith.constant 3 : i32
    %dma_wait3A_95 = arith.constant 3 : i32
    %dma_wait3A_96 = arith.constant 0 : i32
    %dma_wait3A_97 = arith.constant 0 : i32
    %dma_wait3A_98 = tpu.memref_slice %arg7[%dma_wait3A_95, %dma_wait3A_96, %dma_wait3A_97] : memref<4x128x64xf32, #tpu.memory_space<vmem>> -> memref<1x128x64xf32, #tpu.memory_space<vmem>>
    %dma_wait3A_99 = tpu.memref_squeeze %dma_wait3A_98 : memref<1x128x64xf32, #tpu.memory_space<vmem>> -> memref<128x64xf32, #tpu.memory_space<vmem>>
    %dma_wait3A_100 = arith.constant 0 : i32
    %dma_wait3A_101 = tpu.memref_slice %arg5[%dma_wait3A_94, %dma_wait3A_100] : memref<4x128xi32, #tpu.memory_space<vmem>> -> memref<1x128xi32, #tpu.memory_space<vmem>>
    %dma_wait3A_102 = tpu.memref_squeeze %dma_wait3A_101 : memref<1x128xi32, #tpu.memory_space<vmem>> -> memref<128xi32, #tpu.memory_space<vmem>>
    %dma_wait3A_103 = arith.constant 0 : i32
    %dma_wait3A_104 = arith.constant 0 : i32
    %dma_wait3A_105 = tpu.memref_slice %arg8[%dma_wait3A_103, %dma_wait3A_104] : memref<128x64xf32, #tpu.memory_space<vmem_shared>> -> memref<128x64xf32, #tpu.memory_space<vmem_shared>>
    tpu.wait_indirect_dma semaphore(%arg9 : memref<!tpu.dma_semaphore, #tpu.memory_space<semaphore_mem>>) src(%dma_wait3A_105 : memref<128x64xf32, #tpu.memory_space<vmem_shared>>) dst(%dma_wait3A_99 : memref<128x64xf32, #tpu.memory_space<vmem>>)
    "tpu.region"() ({
      %run_scoped3A = tpu.sem_alloc : memref<!tpu.dma_semaphore, #tpu.memory_space<semaphore_mem>>
      %dma_start3A_106 = arith.constant 0 : i32
      %dma_start3A_107 = arith.constant 0 : i32
      %dma_start3A_108 = arith.constant 0 : i32
      %dma_start3A_109 = tpu.memref_slice %arg4[%add3A, %dma_start3A_106, %dma_start3A_107, %dma_start3A_108] : memref<32x4x128x64xf32, #tpu.memory_space<hbm>> -> memref<1x4x128x64xf32, #tpu.memory_space<hbm>>
      %dma_start3A_110 = tpu.memref_squeeze %dma_start3A_109 : memref<1x4x128x64xf32, #tpu.memory_space<hbm>> -> memref<4x128x64xf32, #tpu.memory_space<hbm>>
      %dma_start3A_111 = arith.constant 0 : i32
      %dma_start3A_112 = arith.constant 0 : i32
      %dma_start3A_113 = arith.constant 0 : i32
      %dma_start3A_114 = tpu.memref_slice %arg4[%add3A, %dma_start3A_111, %dma_start3A_112, %dma_start3A_113] : memref<32x4x128x64xf32, #tpu.memory_space<hbm>> -> memref<1x4x128x64xf32, #tpu.memory_space<hbm>>
      %dma_start3A_115 = tpu.memref_squeeze %dma_start3A_114 : memref<1x4x128x64xf32, #tpu.memory_space<hbm>> -> memref<4x128x64xf32, #tpu.memory_space<hbm>>
      tpu.enqueue_dma source(%arg7 : memref<4x128x64xf32, #tpu.memory_space<vmem>>) target(%dma_start3A_115 : memref<4x128x64xf32, #tpu.memory_space<hbm>>) target_semaphore(%run_scoped3A : memref<!tpu.dma_semaphore, #tpu.memory_space<semaphore_mem>>)
      %dma_wait3A_116 = arith.constant 0 : i32
      %dma_wait3A_117 = arith.constant 0 : i32
      %dma_wait3A_118 = arith.constant 0 : i32
      %dma_wait3A_119 = tpu.memref_slice %arg4[%add3A, %dma_wait3A_116, %dma_wait3A_117, %dma_wait3A_118] : memref<32x4x128x64xf32, #tpu.memory_space<hbm>> -> memref<1x4x128x64xf32, #tpu.memory_space<hbm>>
      %dma_wait3A_120 = tpu.memref_squeeze %dma_wait3A_119 : memref<1x4x128x64xf32, #tpu.memory_space<hbm>> -> memref<4x128x64xf32, #tpu.memory_space<hbm>>
      %dma_wait3A_121 = arith.constant 0 : i32
      %dma_wait3A_122 = arith.constant 0 : i32
      %dma_wait3A_123 = arith.constant 0 : i32
      %dma_wait3A_124 = tpu.memref_slice %arg4[%add3A, %dma_wait3A_121, %dma_wait3A_122, %dma_wait3A_123] : memref<32x4x128x64xf32, #tpu.memory_space<hbm>> -> memref<1x4x128x64xf32, #tpu.memory_space<hbm>>
      %dma_wait3A_125 = tpu.memref_squeeze %dma_wait3A_124 : memref<1x4x128x64xf32, #tpu.memory_space<hbm>> -> memref<4x128x64xf32, #tpu.memory_space<hbm>>
      tpu.wait_dma2 semaphore(%run_scoped3A : memref<!tpu.dma_semaphore, #tpu.memory_space<semaphore_mem>>) src(%arg7 : memref<4x128x64xf32, #tpu.memory_space<vmem>>) dst(%dma_wait3A_125 : memref<4x128x64xf32, #tpu.memory_space<hbm>>)
      tpu.yield
    }) : () -> ()
    return
  }
}

</mosaic_0001>

<sc_bundles>
// kernel: kernel.3.cloned.1.call-start
scs
__scs_entry_jumppad:
0x0: {  	(pc) =	sbr.rel $0x88, $3  }
0x1: {  	(tag) =	ssettag $0x0;
	lr =	simm.s32 $0x1  }
0x2: {  	[smem:$0x3F9F] =	sst lr;
	_ =	strace $0xD0000000  }
0x3: {  	_ = 	snop  }
0x4: {  	_ = 	snop  }
0x5: {  	_ = 	snop  }
0x6: {  	_ = 	snop  }
0x7: {  	_ = 	snop  }
__scs_overlays_trampoline_lowered:
0x8: {  	[smem:$0x3FAE] =	sst s0  }
0x9: {  	[smem:$0x3FAF] =	sst s1  }
0xa: {  	[smem:$0x3FB0] =	sst s2  }
0xb: {  	[smem:$0x3FB1] =	sst s3  }
0xc: {  	[smem:$0x3FB2] =	sst s4  }
0xd: {  	[smem:$0x3FB3] =	sst s5  }
0xe: {  	[smem:$0x3FB4] =	sst s6  }
0xf: {  	[smem:$0x3FB5] =	sst s7  }
0x10: {  	[smem:$0x3FB6] =	sst s8  }
0x11: {  	[smem:$0x3FB7] =	sst s9;
	s0 =	simm.s32 @!p0 $0x0  }
0x12: {  	s1 =	sld [smem:$0x3F9D];
	s0 =	simm.s32 @p0 $0x1  }
0x13: {  	[smem:$0x3FB8] =	sst s0;
	s0 =	simm.s32 @!p1 $0x0  }
0x14: {  	s2 =	sld [smem:$0x3F9C];
	s0 =	simm.s32 @p1 $0x1  }
0x15: {  	[smem:$0x3FB9] =	sst s0;
	s0 =	simm.s32 @!p2 $0x0  }
0x16: {  	s3 =	sld [smem:$0x3FDB];
	s0 =	simm.s32 @p2 $0x1  }
0x17: {  	s4 =	simm.s32 $0x1BF5;
	[smem:$0x3FBB] =	sst s0  }
0x18: {  	s0 =	sld [smem:$0x3F9E];
	_ =	swait.ge [sflag:s4], $0x0  }
0x19: {  	s7 =	sld [smem:$0x3F9F]  }
0x1a: {  	s8 =	sadd.s32 $0xFFFFE003, lr  }
0x1b: {  	s9 =	sadd.s32 $0xFFFFFEF7, lr;
	s5 =	simm.s32 $0xFFFFFFFF;
	p2 =	slt.u32 s8, $0xFFFFF086  }
0x1c: {  	p1 =	slt.u32 s9, $0xF7A;
	s5 =	simm.s32 @!p2 $0x0  }
0x1d: {  	s5 =	simm.s32 @p1 $0x1;
	p0 =	seq.s32 s7, s2  }
0x1e: {  	s7 =	smul.u32 @!p0 $0xF7A, s2;
	p2 =	seq.s32 @!p0 s5, $0x0  }
0x1f: {  	s9 =	smul.u32 $0xF7A, s1;
	s8 =	simm.s32 @!p0 $0x1BF5;
	p2 =	por !p2, p0  }
0x20: {  	[sflag:s8] =	ssyncset.s32 @!p0 $0xFFFFF086;
	s6 =	sadd.s32 @!p0 s3, s7;
	s7 =	simm.s32 @!p0 $0x108  }
0x21: {  	s3 =	sadd.s32 s3, s9;
	s6 =	sadd.s32 @!p0 $0x88, s6;
	s7 =	simm.s32 @p2 $0x1082  }
0x22: {  	[simem:s7], [sflag:s8] =	dma.local @!p0 [hbm:s6], $0xF7A  }
0x23: {  	s9 =	sor.u32 $0xD0000000, s2;
	s6 =	simm.s32 $0x108;
	_ =	swait.ge @!p0 [sflag:s8], $0x0  }
0x24: {  	s3 =	sadd.s32 $0x88, s3;
	s6 =	simm.s32 @!p1 $0x1082;
	[sflag:s4] =	ssyncset.s32 $0xFFFFF086  }
0x25: {  	[simem:s6], [sflag:s4] =	dma.local [hbm:s3], $0xF7A  }
0x26: {  	[smem:$0x3F9F] =	sst s1;
	(tag) =	ssettag s2;
	_ =	strace s9  }
0x27: {  	s1 =	sld [smem:$0x3FAF]  }
0x28: {  	s2 =	sld [smem:$0x3FB0]  }
0x29: {  	s4 =	sld [smem:$0x3FB2]  }
0x2a: {  	p0 =	seq.s32 s5, $0x0;
	s5 =	sld [smem:$0x3FB3]  }
0x2b: {  	s6 =	sld [smem:$0x3FB4]  }
0x2c: {  	s7 =	sld [smem:$0x3FB5]  }
0x2d: {  	s3 =	simm.s32 $0x108;
	s8 =	sld [smem:$0x3FB6]  }
0x2e: {  	s3 =	simm.s32 @!p0 $0x1082;
	s9 =	sld [smem:$0x3FB7]  }
0x2f: {  	lr =	sadd.s32 s0, s3;
	s0 =	sld [smem:$0x3FAE]  }
0x30: {  	s3 =	sld [smem:$0x3FB1]  }
0x31: {  	[smem:$0x3FBA] =	sst s10  }
0x32: {  	s10 =	sld [smem:$0x3FB8];
	_ =	sdelay $0x3  }
0x33: {  	p0 =	seq.s32 s10, $0x1;
	s10 =	sld [smem:$0x3FBA];
	_ =	sdelay $0x3  }
0x34: {  	[smem:$0x3FBA] =	sst s10  }
0x35: {  	s10 =	sld [smem:$0x3FB9];
	_ =	sdelay $0x3  }
0x36: {  	p1 =	seq.s32 s10, $0x1;
	s10 =	sld [smem:$0x3FBA];
	_ =	sdelay $0x3  }
0x37: {  	[smem:$0x3FBA] =	sst s10  }
0x38: {  	s10 =	sld [smem:$0x3FBB]  }
0x39: {  	_ = 	snop;
	(pc) =	sbr.ind lr, $3  }
0x3a: {  	_ = 	snop  }
0x3b: {  	_ = 	snop  }
0x3c: {  	p2 =	seq.s32 s10, $0x1;
	s10 =	sld [smem:$0x3FBA]  }
0x3d: {  	_ =	shalt  }
0x3e: {  	_ =	shalt  }
0x3f: {  	_ =	shalt  }
0x40: {  	_ =	shalt  }
0x41: {  	_ =	shalt  }
0x42: {  	_ =	shalt  }
0x43: {  	_ =	shalt  }
0x44: {  	_ =	shalt  }
0x45: {  	_ =	shalt  }
0x46: {  	_ =	shalt  }
0x47: {  	_ =	shalt  }
0x48: {  	_ =	shalt  }
0x49: {  	_ =	shalt  }
0x4a: {  	_ =	shalt  }
0x4b: {  	_ =	shalt  }
0x4c: {  	_ =	shalt  }
0x4d: {  	_ =	shalt  }
0x4e: {  	_ =	shalt  }
0x4f: {  	_ =	shalt  }
0x50: {  	_ =	shalt  }
0x51: {  	_ =	shalt  }
0x52: {  	_ =	shalt  }
0x53: {  	_ =	shalt  }
0x54: {  	_ =	shalt  }
0x55: {  	_ =	shalt  }
0x56: {  	_ =	shalt  }
0x57: {  	_ =	shalt  }
0x58: {  	_ =	shalt  }
0x59: {  	_ =	shalt  }
0x5a: {  	_ =	shalt  }
0x5b: {  	_ =	shalt  }
0x5c: {  	_ =	shalt  }
0x5d: {  	_ =	shalt  }
0x5e: {  	_ =	shalt  }
0x5f: {  	_ =	shalt  }
0x60: {  	_ =	shalt  }
0x61: {  	_ =	shalt  }
0x62: {  	_ =	shalt  }
0x63: {  	_ =	shalt  }
0x64: {  	_ =	shalt  }
0x65: {  	_ =	shalt  }
0x66: {  	_ =	shalt  }
0x67: {  	_ =	shalt  }
0x68: {  	_ =	shalt  }
0x69: {  	_ =	shalt  }
0x6a: {  	_ =	shalt  }
0x6b: {  	_ =	shalt  }
0x6c: {  	_ =	shalt  }
0x6d: {  	_ =	shalt  }
0x6e: {  	_ =	shalt  }
0x6f: {  	_ =	shalt  }
0x70: {  	_ =	shalt  }
0x71: {  	_ =	shalt  }
0x72: {  	_ =	shalt  }
0x73: {  	_ =	shalt  }
0x74: {  	_ =	shalt  }
0x75: {  	_ =	shalt  }
0x76: {  	_ =	shalt  }
0x77: {  	_ =	shalt  }
0x78: {  	_ =	shalt  }
0x79: {  	_ =	shalt  }
0x7a: {  	_ =	shalt  }
0x7b: {  	_ =	shalt  }
0x7c: {  	_ =	shalt  }
0x7d: {  	_ =	shalt  }
0x7e: {  	_ =	shalt  }
0x7f: {  	_ =	shalt  }
0x80: {  	_ =	shalt  }
0x81: {  	_ =	shalt  }
0x82: {  	_ =	shalt  }
0x83: {  	_ =	shalt  }
0x84: {  	_ =	shalt  }
0x85: {  	_ =	shalt  }
0x86: {  	_ =	shalt  }
0x87: {  	_ =	shalt  }
.Lfunc_end0:
.L_simem_size_0:
called_computation_lowered:
.L_overlay_start_0:
0x88: {  	s2 =	sld [smem:$0x3FD9]  }
0x89: {  	s3 =	sld [smem:$0x3FFE];
	_ =	sdelay $0x1  }
0x8a: {  	s1 =	srdreg.scid  }
0x8b: {  	s0 =	sand.u32 $0x1, s1  }
0x8c: {  	s14 =	sshll.u32 s0, $0xA;
	s2 =	sadd.s32 s3, s2  }
0x8d: {  	s2 =	sadd.s32 s2, s14  }
0x8e: {  	[smem:$0x3FC6] =	sst s2  }
0x8f: {  	_ = 	snop  }
0x90: {  	s2 =	sld [smem:$0x3FD0];
	_ =	sdelay $0x2  }
0x91: {  	s4 =	simm.s32 $0xA;
	s5 =	simm.s32 $0x10;
	s15 =	sld [smem:$0x3FC9]  }
0x92: {  	[smem:s5], [sflag:s4] =	dma.local [hbm:s2], $0x1  }
0x93: {  	_ =	swait.eq [sflag:s4], $0x1  }
0x94: {  	[sflag:s4] =	ssyncset.done $0x0  }
0x95: {  	[sflag:s4] =	ssyncadd.s32 $0xFFFFFFFF  }
0x96: {  	s16 =	sld [smem:$0x11];
	(tm) =	ssettm $0x1  }
0x97: {  	s17 =	sld [smem:$0x3FFB];
	_ =	sdelay $0x3  }
0x98: {  	_ =	strace s17  }
0x99: {  	s4 =	sld [smem:$0x3FFC];
	_ =	sdelay $0x3  }
0x9a: {  	_ =	strace s4  }
0x9b: {  	s4 =	sld [smem:$0x3FFD];
	_ =	sdelay $0x3  }
0x9c: {  	_ =	strace s4  }
0x9d: {  	_ =	strace $0x8FFFFFFF  }
0x9e: {  	s18 =	sld [smem:$0x3FDB];
	_ =	sdelay $0x1  }
0x9f: {  	s19 =	simm.s32 $_scs_section_size  }
0xa0: {  	s6 =	simm.s32 $_size__tile_overlayer_lowered;
	s7 =	simm.s32 $_tile_overlayer_lowered  }
0xa1: {  	s22 =	simm.s32 $0x1BFF;
	s21 =	sshll.u32 s7, $0x1;
	s4 =	sadd.s32 s19, s18  }
0xa2: {  	s8 =	simm.s32 $0x0;
	s20 =	sshll.u32 s6, $0x1;
	s6 =	sadd.s32 s21, s4  }
0xa3: {  	[timem:s8], [sflag:s22] =	dma.local [hbm:s6], s20  }
0xa4: {  	_ =	swait.ge [sflag:s22], s20  }
0xa5: {  	s5 =	ssub.s32 $0x0, s20;
	[sflag:s22] =	ssyncset.done $0x0  }
0xa6: {  	[sflag:s22] =	ssyncadd.s32 s5;
	_ =	sdelay $0x1  }
0xa7: {  	s23 =	simm.s32 $0x1B8B  }
0xa8: {  	_ =	swait.ge [sflag:s23], $0x1  }
0xa9: {  	[sflag:s23] =	ssyncset.done $0x0  }
0xaa: {  	s25 =	simm.s32 $0x1B8E;
	s24 =	sld [smem:$0x3FFE];
	[sflag:s23] =	ssyncadd.s32 $0xFFFFFFFF  }
0xab: {  	s26 =	simm.s32 $execute0_lowered;
	[smem:$0x3FD2] =	sst s25  }
0xac: {  	s6 =	sshll.u32 s26, $0x1;
	_ =	strace $0x80000046;
	[dreg:$0x1] =	wrdreg $0xFFFFFFFF  }
0xad: {  	s28 =	simm.s32 $_size_execute0_lowered;
	s4 =	sadd.s32 s4, s6;
	[dreg:$0x0] =	wrdreg $0x0  }
0xae: {  	s6 =	sshll.u32 s28, $0x1;
	[dreg:$0x2] =	wrdreg s4  }
0xaf: {  	[dreg:$0x3] =	wrdreg s6  }
0xb0: {  	[dreg:$0x4] =	wrdreg $0xC0  }
0xb1: {  	_ =	task [dreg:s8], $0x5FFFF  }
0xb2: {  	[dreg:$0x1] =	wrdreg $0xFFFFFFFF  }
0xb3: {  	[dreg:$0x0] =	wrdreg $0x60  }
0xb4: {  	[dreg:$0x2] =	wrdreg s16  }
0xb5: {  	[dreg:$0x3] =	wrdreg s15  }
0xb6: {  	[dreg:$0x4] =	wrdreg s24  }
0xb7: {  	[dreg:$0x5] =	wrdreg $0x106000  }
0xb8: {  	[dreg:$0x6] =	wrdreg $0x9  }
0xb9: {  	_ =	task.clear_ibuf [dreg:s8], $0x7FFFF;
	_ =	strace $0x90000046  }
0xba: {  	s29 =	simm.s32 $0x9;
	_ =	strace $0x80000048  }
0xbb: {  	_ =	swait.ge [sflag:s29], $0x1  }
0xbc: {  	[sflag:s29] =	ssyncadd.s32 $0xFFFFFFFF  }
0xbd: {  	_ =	strace $0x90000048  }
0xbe: {  	_ =	sfence  }
0xbf: {  	s30 =	sld [smem:$0x0];
	_ =	sdelay $0x2  }
0xc0: {  	s31 =	sshll.u32 s1, $0xD;
	s1 =	sshrl.u32 s1, $0x2  }
0xc1: {  	s3 =	sand.u32 $0x4000, s31;
	s1 =	sadd.s32 s1, s30  }
0xc2: {  	s0 =	sor.u32 s3, s0;
	s1 =	sshll.u32 s1, $0x11  }
0xc3: {  	s0 =	sor.u32 s1, s0  }
0xc4: {  	s0 =	sadd.s32 $0x8F2B, s0  }
0xc5: {  	[sflag:s0] =	ssyncadd.remote.s32 $0x1  }
0xc6: {  	_ =	sfence.sel $0xFFFF  }
0xc7: {  	[dreg:$0x0] =	wrdreg $0xFFFFFFFF;
	(pc) =	sbr.abs _section_cstart, $3  }
0xc8: {  	[dreg:$0x1] =	wrdreg $0xFFFFFFFF  }
0xc9: {  	_ =	task.clear_ibuf [dreg:s8], $0x2FFFF;
	_ =	strace $0x9FFFFFFF  }
0xca: {  	(tm) =	ssettm $0x7FFFFFFF  }
0xcb: {  	_ =	shalt  }
tec
execute0_lowered:
.L_overlay_start_1:
0x0: {  	(tag) =	ssettag $0x1  }
0x1: {  	s4 =	rddreg [dreg:$0x0]  }
0x2: {  	s6 =	rddreg [dreg:$0x1]  }
0x3: {  	s5 =	rddreg [dreg:$0x2]  }
0x4: {  	s2 =	rddreg [dreg:$0x3]  }
0x5: {  	s3 =	srdreg.scid;
	s1 =	stileid.u32  }
0x6: {  	s0 =	rddreg [dreg:$0x4];
	s11 =	simm.s32 $0x80;
	s12 =	simm.s32 $0x600  }
0x7: {  	s13 =	simm.s32 $0x4600;
	s14 =	simm.s32 $0x100;
	s15 =	simm.s32 $0x8600  }
0x8: {  	s16 =	simm.s32 $0x180;
	s17 =	simm.s32 $0xC600;
	s18 =	simm.s32 $0x1  }
0x9: {  	s7 =	sand.u32 $0x1, s3;
	s8 =	sshll.u32 s1, $0x1;
	s3 =	simm.s32 $0x0  }
0xa: {  	s30 =	sshll.u32 s1, $0x7;
	s31 =	sshll.u32 s1, $0xA;
	s8 =	sor.u32 s7, s8  }
0xb: {  	s7 =	ssub.s32 $0x2, s7;
	[smem:$0x7FF] =	sst s3;
	s4 =	sadd.s32 s4, s30  }
0xc: {  	s9 =	sshll.u32 s8, $0xD;
	s10 =	sshrl.u32 s7, $0x1;
	_ =	strace $0x80000047  }
0xd: {  	s8 =	sshll.u32 s8, $0x6;
	s9 =	sadd.s32 s9, s5;
	s10 =	ssub.s32 s7, s10  }
0xe: {  	s5 =	sadd.s32 s31, s2;
	s6 =	sadd.s32 s6, s8;
	s7 =	sadd.s32 $0x400, s9  }
0xf: {  	s8 =	smax.u32 s10, $0x1;
	s9 =	simm.s32 $0x200;
	s10 =	simm.s32 $0x2  }
.LBB2_1:
0x10: {  	[tilespmem:s9], [sflag:$0x2] =	stream.linear.gather [hbm4b:s4+s3], $0x400, $0x38;
	[tilespmem:$0x10800] =	vst v63  }
0x11: {  	_ =	swait.ge [sflag:s10], $0x400  }
0x12: {  	[sflag:s10] =	ssyncset.done $0x0  }
0x13: {  	[sflag:s10] =	ssyncadd.s32 $0xFFFFFC00  }
0x14: {  	v0 =	vld [tilespmem:$0x200]  }
0x15: {  	v1 =	vld [tilespmem:$0x210]  }
0x16: {  	v2 =	vld [tilespmem:$0x220]  }
0x17: {  	v3 =	vld [tilespmem:$0x230]  }
0x18: {  	v4 =	vld [tilespmem:$0x280]  }
0x19: {  	v5 =	vld [tilespmem:$0x290];
	v0 =	vmul.f32 $1.442695020e+00, v0  }
0x1a: {  	v6 =	vld [tilespmem:$0x2A0];
	v1 =	vmul.f32 $1.442695020e+00, v1  }
0x1b: {  	v10 =	vld [tilespmem:$0x2B0];
	v9 =	vmul.f32 $1.442695020e+00, v2;
	(erf) = vpow2.f32 v0  }
0x1c: {  	v12 =	vld [tilespmem:$0x300];
	v11 =	vmul.f32 $1.442695020e+00, v3;
	(erf) = vpow2.f32 v1  }
0x1d: {  	v14 =	vld [tilespmem:$0x310];
	v13 =	vmul.f32 $1.442695020e+00, v4;
	(erf) = vpow2.f32 v9  }
0x1e: {  	v16 =	vld [tilespmem:$0x320];
	v15 =	vmul.f32 $1.442695020e+00, v5;
	(erf) = vpow2.f32 v11  }
0x1f: {  	v18 =	vld [tilespmem:$0x330];
	v17 =	vmul.f32 $1.442695020e+00, v6;
	(erf) = vpow2.f32 v13  }
0x20: {  	v20 =	vld [tilespmem:$0x380];
	v19 =	vmul.f32 $1.442695020e+00, v10;
	(erf) = vpow2.f32 v15  }
0x21: {  	v22 =	vld [tilespmem:$0x390];
	v21 =	vmul.f32 $1.442695020e+00, v12;
	(erf) = vpow2.f32 v17  }
0x22: {  	v24 =	vld [tilespmem:$0x3A0];
	v23 =	vmul.f32 $1.442695020e+00, v14;
	(erf) = vpow2.f32 v19  }
0x23: {  	v26 =	vld [tilespmem:$0x3B0];
	v25 =	vmul.f32 $1.442695020e+00, v16;
	(erf) = vpow2.f32 v21  }
0x24: {  	v28 =	vld [tilespmem:$0x400];
	v27 =	vmul.f32 $1.442695020e+00, v18;
	v7 =	vpop (erf);
	(erf) = vpow2.f32 v23  }
0x25: {  	v30 =	vld [tilespmem:$0x410];
	v29 =	vmul.f32 $1.442695020e+00, v20;
	v7 =	vadd.f32 $9.999999930e-09, v7;
	v8 =	vpop (erf);
	(erf) = vpow2.f32 v25  }
0x26: {  	v32 =	vld [tilespmem:$0x420];
	v31 =	vmul.f32 $1.442695020e+00, v22;
	v8 =	vadd.f32 $9.999999930e-09, v8;
	v9 =	vpop (erf);
	(erf) = vpow2.f32 v27  }
0x27: {  	v36 =	vld [tilespmem:$0x430];
	v35 =	vmul.f32 $1.442695020e+00, v24;
	[tilespmem:$0x200] =	vst v7;
	v33 =	vadd.f32 $9.999999930e-09, v9;
	v34 =	vpop (erf);
	(erf) = vpow2.f32 v29  }
0x28: {  	v40 =	vld [tilespmem:$0x480];
	v39 =	vmul.f32 $1.442695020e+00, v26;
	[tilespmem:$0x210] =	vst v8;
	v37 =	vadd.f32 $9.999999930e-09, v34;
	v38 =	vpop (erf);
	(erf) = vpow2.f32 v31  }
0x29: {  	v44 =	vld [tilespmem:$0x490];
	v43 =	vmul.f32 $1.442695020e+00, v28;
	[tilespmem:$0x220] =	vst v33;
	v41 =	vadd.f32 $9.999999930e-09, v38;
	v42 =	vpop (erf);
	(erf) = vpow2.f32 v35  }
0x2a: {  	v48 =	vld [tilespmem:$0x4A0];
	v47 =	vmul.f32 $1.442695020e+00, v30;
	[tilespmem:$0x230] =	vst v37;
	v45 =	vadd.f32 $9.999999930e-09, v42;
	v46 =	vpop (erf);
	(erf) = vpow2.f32 v39  }
0x2b: {  	v52 =	vld [tilespmem:$0x4B0];
	v51 =	vmul.f32 $1.442695020e+00, v32;
	[tilespmem:$0x280] =	vst v41;
	v49 =	vadd.f32 $9.999999930e-09, v46;
	v50 =	vpop (erf);
	(erf) = vpow2.f32 v43  }
0x2c: {  	v56 =	vld [tilespmem:$0x500];
	v55 =	vmul.f32 $1.442695020e+00, v36;
	[tilespmem:$0x290] =	vst v45;
	v53 =	vadd.f32 $9.999999930e-09, v50;
	v54 =	vpop (erf);
	(erf) = vpow2.f32 v47  }
0x2d: {  	v60 =	vld [tilespmem:$0x510];
	v59 =	vmul.f32 $1.442695020e+00, v40;
	[tilespmem:$0x2A0] =	vst v49;
	v57 =	vadd.f32 $9.999999930e-09, v54;
	v58 =	vpop (erf);
	(erf) = vpow2.f32 v51  }
0x2e: {  	v63 =	vmul.f32 $1.442695020e+00, v44;
	v12 =	vld [tilespmem:$0x520];
	[tilespmem:$0x2B0] =	vst v53;
	v61 =	vadd.f32 $9.999999930e-09, v58;
	v62 =	vpop (erf);
	(erf) = vpow2.f32 v55  }
0x2f: {  	v16 =	vld [tilespmem:$0x530];
	v15 =	vmul.f32 $1.442695020e+00, v48;
	[tilespmem:$0x300] =	vst v57;
	v13 =	vadd.f32 $9.999999930e-09, v62;
	v14 =	vpop (erf);
	(erf) = vpow2.f32 v59  }
0x30: {  	v20 =	vld [tilespmem:$0x580];
	v19 =	vmul.f32 $1.442695020e+00, v52;
	[tilespmem:$0x310] =	vst v61;
	v17 =	vadd.f32 $9.999999930e-09, v14;
	v18 =	vpop (erf);
	(erf) = vpow2.f32 v63  }
0x31: {  	v24 =	vld [tilespmem:$0x590];
	v23 =	vmul.f32 $1.442695020e+00, v56;
	[tilespmem:$0x320] =	vst v13;
	v21 =	vadd.f32 $9.999999930e-09, v18;
	v22 =	vpop (erf);
	(erf) = vpow2.f32 v15  }
0x32: {  	v28 =	vld [tilespmem:$0x5A0];
	v27 =	vmul.f32 $1.442695020e+00, v60;
	[tilespmem:$0x330] =	vst v17;
	v25 =	vadd.f32 $9.999999930e-09, v22;
	v26 =	vpop (erf);
	(erf) = vpow2.f32 v19  }
0x33: {  	v32 =	vld [tilespmem:$0x5B0];
	v31 =	vmul.f32 $1.442695020e+00, v12;
	[tilespmem:$0x380] =	vst v21;
	v29 =	vadd.f32 $9.999999930e-09, v26;
	v30 =	vpop (erf);
	(erf) = vpow2.f32 v23  }
0x34: {  	v2 =	vmul.f32 $1.442695020e+00, v16;
	[tilespmem:$0x390] =	vst v25;
	v33 =	vpop (erf);
	(erf) = vpow2.f32 v27;
	v34 =	vadd.f32 $9.999999930e-09, v30  }
0x35: {  	v3 =	vmul.f32 $1.442695020e+00, v20;
	[tilespmem:$0x3A0] =	vst v29;
	v35 =	vpop (erf);
	(erf) = vpow2.f32 v31;
	v36 =	vadd.f32 $9.999999930e-09, v33  }
0x36: {  	v4 =	vmul.f32 $1.442695020e+00, v24;
	[tilespmem:$0x3B0] =	vst v34;
	v37 =	vpop (erf);
	(erf) = vpow2.f32 v2;
	v38 =	vadd.f32 $9.999999930e-09, v35  }
0x37: {  	v40 =	vmul.f32 $1.442695020e+00, v28;
	[tilespmem:$0x400] =	vst v36;
	v39 =	vpop (erf);
	(erf) = vpow2.f32 v3;
	v1 =	vadd.f32 $9.999999930e-09, v37  }
0x38: {  	v42 =	vmul.f32 $1.442695020e+00, v32;
	[tilespmem:$0x410] =	vst v38;
	v41 =	vpop (erf);
	(erf) = vpow2.f32 v4;
	v0 =	vadd.f32 $9.999999930e-09, v39  }
0x39: {  	[tilespmem:$0x420] =	vst v1;
	v43 =	vpop (erf);
	(erf) = vpow2.f32 v40;
	v2 =	vadd.f32 $9.999999930e-09, v41  }
0x3a: {  	[tilespmem:$0x430] =	vst v0;
	v44 =	vadd.f32 $9.999999930e-09, v43;
	v45 =	vpop (erf);
	(erf) = vpow2.f32 v42  }
0x3b: {  	v46 =	vpop (erf);
	[tilespmem:$0x480] =	vst v2;
	v1 =	vadd.f32 $9.999999930e-09, v45  }
0x3c: {  	v47 =	vpop (erf);
	[tilespmem:$0x490] =	vst v44;
	v48 =	vadd.f32 $9.999999930e-09, v46  }
0x3d: {  	v49 =	vpop (erf);
	[tilespmem:$0x4A0] =	vst v1;
	v50 =	vadd.f32 $9.999999930e-09, v47  }
0x3e: {  	v51 =	vpop (erf);
	[tilespmem:$0x4B0] =	vst v48;
	v52 =	vadd.f32 $9.999999930e-09, v49  }
0x3f: {  	v53 =	vpop (erf);
	[tilespmem:$0x500] =	vst v50;
	v54 =	vadd.f32 $9.999999930e-09, v51  }
0x40: {  	v55 =	vpop (erf);
	[tilespmem:$0x510] =	vst v52;
	v56 =	vadd.f32 $9.999999930e-09, v53  }
0x41: {  	v57 =	vpop (erf);
	[tilespmem:$0x520] =	vst v54;
	v58 =	vadd.f32 $9.999999930e-09, v55  }
0x42: {  	v59 =	vpop (erf);
	[tilespmem:$0x530] =	vst v56;
	v60 =	vadd.f32 $9.999999930e-09, v57  }
0x43: {  	[tilespmem:$0x580] =	vst v58;
	v61 =	vadd.f32 $9.999999930e-09, v59;
	v62 =	vpop (erf)  }
0x44: {  	[tilespmem:$0x590] =	vst v60;
	v63 =	vadd.f32 $9.999999930e-09, v62  }
0x45: {  	[tilespmem:$0x5A0] =	vst v61  }
0x46: {  	[tilespmem:$0x5B0] =	vst v63  }
0x47: {  	[spmem:s5] =	stream.linear.scatter [tilespmem:s9], [sflag:$0x2], $0x400, $0x38;
	[tilespmem:$0x10800] =	vst v63  }
0x48: {  	_ =	swait.ge [sflag:s10], $0x400  }
0x49: {  	[sflag:s10] =	ssyncset.done $0x0  }
0x4a: {  	[sflag:s10] =	ssyncadd.s32 $0xFFFFFC00  }
0x4b: {  	[tilespmem:s3], [sflag:$0x2] =	stream.linear.gather [hbm4b:s6+s3], $0x200, $0x38;
	[tilespmem:$0x10800] =	vst v63  }
0x4c: {  	_ =	swait.ge [sflag:s10], $0x200  }
0x4d: {  	[sflag:s10] =	ssyncset.done $0x0  }
0x4e: {  	[sflag:s10] =	ssyncadd.s32 $0xFFFFFE00  }
0x4f: {  	[bflag:$0x0] =	sbarrier.arrive $0xFFFF  }
0x50: {  	[tilespmem:s12], [sflag:$0x1] =	stream.indirect.gather [spmem:s2], $0x40, s3, s11, $0xb8;
	[tilespmem:$0x10800] =	vst v63  }
0x51: {  	_ = 	snop  }
0x52: {  	[tilespmem:s13], [sflag:$0x1] =	stream.indirect.gather [spmem:s2], $0x40, s11, s11, $0xb8;
	[tilespmem:$0x10800] =	vst v63  }
0x53: {  	_ = 	snop  }
0x54: {  	[tilespmem:s15], [sflag:$0x1] =	stream.indirect.gather [spmem:s2], $0x40, s14, s11, $0xb8;
	[tilespmem:$0x10800] =	vst v63  }
0x55: {  	_ = 	snop  }
0x56: {  	[tilespmem:s17], [sflag:$0x1] =	stream.indirect.gather [spmem:s2], $0x40, s16, s11, $0xb8;
	[tilespmem:$0x10800] =	vst v63  }
0x57: {  	_ =	swait.ge [sflag:s18], $0x2000  }
0x58: {  	[sflag:s18] =	ssyncset.done $0x0  }
0x59: {  	[sflag:s18] =	ssyncadd.s32 $0xFFFFE000  }
0x5a: {  	_ =	swait.ge [sflag:s18], $0x2000  }
0x5b: {  	[sflag:s18] =	ssyncset.done $0x0  }
0x5c: {  	[sflag:s18] =	ssyncadd.s32 $0xFFFFE000  }
0x5d: {  	_ =	swait.ge [sflag:s18], $0x2000  }
0x5e: {  	[sflag:s18] =	ssyncset.done $0x0  }
0x5f: {  	[sflag:s18] =	ssyncadd.s32 $0xFFFFE000  }
0x60: {  	_ =	swait.ge [sflag:s18], $0x2000  }
0x61: {  	p0 =	sne.s32 s8, $0x1;
	[sflag:s18] =	ssyncset.done $0x0  }
.Ltmp0:
0x62: {  	[sflag:s18] =	ssyncadd.s32 $0xFFFFE000;
	(pc) =	sbr.rel @p0 .LBB2_1-.Ltmp0, $4  }
0x63: {  	[hbm4b:s7+s3] =	stream.linear.scatter [tilespmem:s12], [sflag:$0x2], $0x10000, $0x38;
	[tilespmem:$0x10800] =	vst v63  }
0x64: {  	_ =	swait.ge [sflag:s10], $0x10000  }
0x65: {  	[sflag:s10] =	ssyncset.done $0x0  }
0x66: {  	s8 =	sadd.s32 $0xFFFFFFFF, s8;
	[sflag:s10] =	ssyncadd.s32 $0xFFFF0000  }
0x67: {  	_ =	sfence.sel $0x180000  }
0x68: {  	[bflag:$0x0] =	sbarrier.arrive $0xFFFF  }
0x69: {  	p0 =	sne.s32 s1, $0x0;
	_ =	strace $0x90000047  }
0x6a: {  	s0 =	sadd.s32 @!p0 $0x100000, s0;
	[bflag:$0x2] =	sbarrier.arrive $0xFFFF  }
0x6b: {  	[sflag:s0] =	ssyncadd.tile.s32 @!p0 $0x1;
	_ =	shalt  }
.Lfunc_end2:
_tile_overlayer_lowered:
.L_overlay_start_2:
0x6c: {  	(tag) =	ssettag $0x2  }
0x6d: {  	s0 =	rddreg [dreg:$0x0];
	s2 =	stileid.u32  }
0x6e: {  	s1 =	rddreg [dreg:$0x1];
	p0 =	sne.s32 s2, $0x0  }
0x6f: {  	s3 =	rddreg [dreg:$0x2];
	[bflag:$0x3] =	sbarrier.arrive $0xFFFF;
	s2 =	simm.s32 @!p0 $0x1C02  }
0x70: {  	[timem:s3], [sflag:s2] =	dma.local @!p0 [hbm:s0], s1  }
0x71: {  	s0 =	simm.s32 @!p0 $0x2  }
0x72: {  	_ =	swait.ge @!p0 [sflag:s0], s1  }
0x73: {  	s1 =	ssub.s32 @!p0 $0x0, s1;
	[sflag:s0] =	ssyncset.done @!p0 $0x0  }
0x74: {  	[sflag:s0] =	ssyncadd.s32 @!p0 s1  }
0x75: {  	[bflag:$0x3] =	sbarrier.arrive $0xFFFF  }
0x76: {  	_ =	shalt  }

</sc_bundles>
